<compile_context>
chip_gen: v7x
topology: tpu7x:2x2x1
jax: 0.10.2.dev20260603
libtpu: 0.0.44.dev20260713+nightly
codegen_flags: <defaults>
</compile_context>

<pallas_src>
import functools

import jax
import jax.numpy as jnp
from jax import lax
from jax.experimental import pallas as pl
from jax.experimental.pallas import tpu as pltpu
from jax.experimental.pallas import tpu_sc as plsc

_NUM_PATCHES = 1024
_DIM = 768
_NC = 2
_NS = 16
_NW = _NC * _NS
_ROWS = _NUM_PATCHES // _NW
_B1 = 40


def _make_sc_bcast(batch):
    mesh = plsc.VectorSubcoreMesh(core_axis_name="c", subcore_axis_name="s")
    spmem_bats = (batch - _B1) // _NC

    @functools.partial(
        pl.kernel,
        mesh=mesh,
        out_type=jax.ShapeDtypeStruct((batch, _NUM_PATCHES, _DIM), jnp.float32),
        scratch_types=[
            pltpu.VMEM((_ROWS, _DIM), jnp.float32),
            pltpu.VMEM_SHARED((_NUM_PATCHES, _DIM), jnp.float32),
            pltpu.SemaphoreType.DMA,
            pltpu.SemaphoreType.DMA,
        ],
    )
    def sc_bcast(table_hbm, out_hbm, chunk_v, tab_sp, sem, sp_sem):
        cid = lax.axis_index("c")
        sid = lax.axis_index("s")
        wid = sid * _NC + cid
        base = wid * _ROWS
        pltpu.sync_copy(table_hbm.at[pl.ds(base, _ROWS)], chunk_v)

        @pl.when(sid == 0)
        def _spmem_fire():
            pltpu.sync_copy(table_hbm, tab_sp)
            b0 = _B1 + cid * spmem_bats
            for j in range(spmem_bats):
                pltpu.make_async_copy(tab_sp, out_hbm.at[b0 + j], sp_sem).start()

        def fire(b, carry):
            pltpu.make_async_copy(
                chunk_v, out_hbm.at[b, pl.ds(base, _ROWS)], sem
            ).start()
            return carry

        lax.fori_loop(0, _B1, fire, 0)

        def drain(b, carry):
            pltpu.make_async_copy(
                chunk_v, out_hbm.at[0, pl.ds(base, _ROWS)], sem
            ).wait()
            return carry

        lax.fori_loop(0, _B1, drain, 0)

        @pl.when(sid == 0)
        def _spmem_drain():
            for _ in range(spmem_bats):
                pltpu.make_async_copy(tab_sp, out_hbm.at[0], sp_sem).wait()

    return sc_bcast


def kernel(x, table):
    return _make_sc_bcast(x.shape[0])(table)

# --- scband reference (transcript-rebuilt; emitter-appended) ---
"""Pipeline reference for scband-position-encoder-28037546508822 (READ-ONLY COPY).

The authoritative reference and input builder live on the scoring server;
editing this copy changes nothing except your own understanding.
"""

import jax, jax.numpy as jnp
import numpy as np

NUM_PATCHES = 1024
PROJECTION_DIM = 768


def setup_inputs(seed: int = 0) -> dict:
    key = jax.random.key(seed)
    k1, k2 = jax.random.split(key)
    x = jax.random.normal(k1, (64, NUM_PATCHES, PROJECTION_DIM), dtype=jnp.float32)
    # Embedding table: Keras Embedding default init is uniform(-0.05, 0.05)
    table = jax.random.uniform(k2, (NUM_PATCHES, PROJECTION_DIM), dtype=jnp.float32, minval=-0.05, maxval=0.05)
    return {"x": x, "table": table}


def reference(x, table):
    # positions = tf.range(0, num_patches)
    positions = jnp.arange(0, NUM_PATCHES, 1)
    # embeddings = position_embedding(positions) -> gather rows
    embeddings = jnp.take(table, positions, axis=0)
    # tf.repeat(tf.expand_dims(embeddings, 0), repeats=[batch], axis=0)
    out = jnp.repeat(jnp.expand_dims(embeddings, axis=0), repeats=x.shape[0], axis=0)
    return out

if __name__ == "__main__":
    import jax
    _d = setup_inputs()
    print(jax.jit(kernel)(*tuple(_d.values())))

</pallas_src>

<mosaic_0001>
#map = affine_map<(d0, d1) -> (0, 0)>
#map1 = affine_map<(d0, d1) -> (0, 0, 0)>
module attributes {stable_mosaic.version = 14 : i64} {
  func.func @sc_bcast(%arg0: i32, %arg1: i32, %arg2: memref<1024x768xf32, #tpu.memory_space<hbm>>, %arg3: memref<64x1024x768xf32, #tpu.memory_space<hbm>>, %arg4: memref<32x768xf32, #tpu.memory_space<vmem>>, %arg5: memref<1024x768xf32, #tpu.memory_space<vmem_shared>>, %arg6: memref<!tpu.dma_semaphore, #tpu.memory_space<semaphore_mem>>, %arg7: memref<!tpu.dma_semaphore, #tpu.memory_space<semaphore_mem>>) attributes {dimension_semantics = [#tpu.dimension_semantics<core_parallel>, #tpu.dimension_semantics<subcore_parallel>], iteration_bounds = array<i64: 2, 16>, scalar_prefetch = 0 : i64, scratch_operands = 4 : i64, tpu.core_type = #tpu.core_type<sc_vector_subcore>, window_params = [{transform_indices = #map}, {transform_indices = #map1}]} {
    %mul3A = arith.constant 2 : i32
    %mul3A_0 = arith.muli %arg1, %mul3A : i32
    %add3A = arith.addi %mul3A_0, %arg0 : i32
    %mul3A_1 = arith.constant 32 : i32
    %mul3A_2 = arith.muli %add3A, %mul3A_1 : i32
    "tpu.region"() ({
      %run_scoped3A = tpu.sem_alloc : memref<!tpu.dma_semaphore, #tpu.memory_space<semaphore_mem>>
      %dma_start3A = arith.constant 0 : i32
      %dma_start3A_21 = tpu.memref_slice %arg2[%mul3A_2, %dma_start3A] : memref<1024x768xf32, #tpu.memory_space<hbm>> -> memref<32x768xf32, #tpu.memory_space<hbm>>
      %dma_start3A_22 = arith.constant 0 : i32
      %dma_start3A_23 = tpu.memref_slice %arg2[%mul3A_2, %dma_start3A_22] : memref<1024x768xf32, #tpu.memory_space<hbm>> -> memref<32x768xf32, #tpu.memory_space<hbm>>
      tpu.enqueue_dma source(%dma_start3A_23 : memref<32x768xf32, #tpu.memory_space<hbm>>) target(%arg4 : memref<32x768xf32, #tpu.memory_space<vmem>>) target_semaphore(%run_scoped3A : memref<!tpu.dma_semaphore, #tpu.memory_space<semaphore_mem>>)
      %dma_wait3A = arith.constant 0 : i32
      %dma_wait3A_24 = tpu.memref_slice %arg2[%mul3A_2, %dma_wait3A] : memref<1024x768xf32, #tpu.memory_space<hbm>> -> memref<32x768xf32, #tpu.memory_space<hbm>>
      %dma_wait3A_25 = arith.constant 0 : i32
      %dma_wait3A_26 = tpu.memref_slice %arg2[%mul3A_2, %dma_wait3A_25] : memref<1024x768xf32, #tpu.memory_space<hbm>> -> memref<32x768xf32, #tpu.memory_space<hbm>>
      tpu.wait_dma2 semaphore(%run_scoped3A : memref<!tpu.dma_semaphore, #tpu.memory_space<semaphore_mem>>) src(%dma_wait3A_26 : memref<32x768xf32, #tpu.memory_space<hbm>>) dst(%arg4 : memref<32x768xf32, #tpu.memory_space<vmem>>)
      tpu.yield
    }) : () -> ()
    %eq3A = arith.constant 0 : i32
    %eq3A_3 = arith.cmpi eq, %arg1, %eq3A : i32
    %convert_element_type3A = arith.extui %eq3A_3 : i1 to i32
    %cond3A = arith.constant 0 : i32
    %cond3A_4 = arith.cmpi ne, %convert_element_type3A, %cond3A : i32
    scf.if %cond3A_4 {
      "tpu.region"() ({
        %run_scoped3A = tpu.sem_alloc : memref<!tpu.dma_semaphore, #tpu.memory_space<semaphore_mem>>
        tpu.enqueue_dma source(%arg2 : memref<1024x768xf32, #tpu.memory_space<hbm>>) target(%arg5 : memref<1024x768xf32, #tpu.memory_space<vmem_shared>>) target_semaphore(%run_scoped3A : memref<!tpu.dma_semaphore, #tpu.memory_space<semaphore_mem>>)
        tpu.wait_dma2 semaphore(%run_scoped3A : memref<!tpu.dma_semaphore, #tpu.memory_space<semaphore_mem>>) src(%arg2 : memref<1024x768xf32, #tpu.memory_space<hbm>>) dst(%arg5 : memref<1024x768xf32, #tpu.memory_space<vmem_shared>>)
        tpu.yield
      }) : () -> ()
      %mul3A_21 = arith.constant 12 : i32
      %mul3A_22 = arith.muli %arg0, %mul3A_21 : i32
      %add3A_23 = arith.constant 40 : i32
      %add3A_24 = arith.addi %add3A_23, %mul3A_22 : i32
      %add3A_25 = arith.constant 0 : i32
      %add3A_26 = arith.addi %add3A_24, %add3A_25 : i32
      %dma_start3A = arith.constant 0 : i32
      %dma_start3A_27 = arith.constant 0 : i32
      %dma_start3A_28 = tpu.memref_slice %arg3[%add3A_26, %dma_start3A, %dma_start3A_27] : memref<64x1024x768xf32, #tpu.memory_space<hbm>> -> memref<1x1024x768xf32, #tpu.memory_space<hbm>>
      %dma_start3A_29 = tpu.memref_squeeze %dma_start3A_28 : memref<1x1024x768xf32, #tpu.memory_space<hbm>> -> memref<1024x768xf32, #tpu.memory_space<hbm>>
      tpu.enqueue_dma source(%arg5 : memref<1024x768xf32, #tpu.memory_space<vmem_shared>>) target(%dma_start3A_29 : memref<1024x768xf32, #tpu.memory_space<hbm>>) target_semaphore(%arg7 : memref<!tpu.dma_semaphore, #tpu.memory_space<semaphore_mem>>)
      %add3A_30 = arith.constant 1 : i32
      %add3A_31 = arith.addi %add3A_24, %add3A_30 : i32
      %dma_start3A_32 = arith.constant 0 : i32
      %dma_start3A_33 = arith.constant 0 : i32
      %dma_start3A_34 = tpu.memref_slice %arg3[%add3A_31, %dma_start3A_32, %dma_start3A_33] : memref<64x1024x768xf32, #tpu.memory_space<hbm>> -> memref<1x1024x768xf32, #tpu.memory_space<hbm>>
      %dma_start3A_35 = tpu.memref_squeeze %dma_start3A_34 : memref<1x1024x768xf32, #tpu.memory_space<hbm>> -> memref<1024x768xf32, #tpu.memory_space<hbm>>
      tpu.enqueue_dma source(%arg5 : memref<1024x768xf32, #tpu.memory_space<vmem_shared>>) target(%dma_start3A_35 : memref<1024x768xf32, #tpu.memory_space<hbm>>) target_semaphore(%arg7 : memref<!tpu.dma_semaphore, #tpu.memory_space<semaphore_mem>>)
      %add3A_36 = arith.constant 2 : i32
      %add3A_37 = arith.addi %add3A_24, %add3A_36 : i32
      %dma_start3A_38 = arith.constant 0 : i32
      %dma_start3A_39 = arith.constant 0 : i32
      %dma_start3A_40 = tpu.memref_slice %arg3[%add3A_37, %dma_start3A_38, %dma_start3A_39] : memref<64x1024x768xf32, #tpu.memory_space<hbm>> -> memref<1x1024x768xf32, #tpu.memory_space<hbm>>
      %dma_start3A_41 = tpu.memref_squeeze %dma_start3A_40 : memref<1x1024x768xf32, #tpu.memory_space<hbm>> -> memref<1024x768xf32, #tpu.memory_space<hbm>>
      tpu.enqueue_dma source(%arg5 : memref<1024x768xf32, #tpu.memory_space<vmem_shared>>) target(%dma_start3A_41 : memref<1024x768xf32, #tpu.memory_space<hbm>>) target_semaphore(%arg7 : memref<!tpu.dma_semaphore, #tpu.memory_space<semaphore_mem>>)
      %add3A_42 = arith.constant 3 : i32
      %add3A_43 = arith.addi %add3A_24, %add3A_42 : i32
      %dma_start3A_44 = arith.constant 0 : i32
      %dma_start3A_45 = arith.constant 0 : i32
      %dma_start3A_46 = tpu.memref_slice %arg3[%add3A_43, %dma_start3A_44, %dma_start3A_45] : memref<64x1024x768xf32, #tpu.memory_space<hbm>> -> memref<1x1024x768xf32, #tpu.memory_space<hbm>>
      %dma_start3A_47 = tpu.memref_squeeze %dma_start3A_46 : memref<1x1024x768xf32, #tpu.memory_space<hbm>> -> memref<1024x768xf32, #tpu.memory_space<hbm>>
      tpu.enqueue_dma source(%arg5 : memref<1024x768xf32, #tpu.memory_space<vmem_shared>>) target(%dma_start3A_47 : memref<1024x768xf32, #tpu.memory_space<hbm>>) target_semaphore(%arg7 : memref<!tpu.dma_semaphore, #tpu.memory_space<semaphore_mem>>)
      %add3A_48 = arith.constant 4 : i32
      %add3A_49 = arith.addi %add3A_24, %add3A_48 : i32
      %dma_start3A_50 = arith.constant 0 : i32
      %dma_start3A_51 = arith.constant 0 : i32
      %dma_start3A_52 = tpu.memref_slice %arg3[%add3A_49, %dma_start3A_50, %dma_start3A_51] : memref<64x1024x768xf32, #tpu.memory_space<hbm>> -> memref<1x1024x768xf32, #tpu.memory_space<hbm>>
      %dma_start3A_53 = tpu.memref_squeeze %dma_start3A_52 : memref<1x1024x768xf32, #tpu.memory_space<hbm>> -> memref<1024x768xf32, #tpu.memory_space<hbm>>
      tpu.enqueue_dma source(%arg5 : memref<1024x768xf32, #tpu.memory_space<vmem_shared>>) target(%dma_start3A_53 : memref<1024x768xf32, #tpu.memory_space<hbm>>) target_semaphore(%arg7 : memref<!tpu.dma_semaphore, #tpu.memory_space<semaphore_mem>>)
      %add3A_54 = arith.constant 5 : i32
      %add3A_55 = arith.addi %add3A_24, %add3A_54 : i32
      %dma_start3A_56 = arith.constant 0 : i32
      %dma_start3A_57 = arith.constant 0 : i32
      %dma_start3A_58 = tpu.memref_slice %arg3[%add3A_55, %dma_start3A_56, %dma_start3A_57] : memref<64x1024x768xf32, #tpu.memory_space<hbm>> -> memref<1x1024x768xf32, #tpu.memory_space<hbm>>
      %dma_start3A_59 = tpu.memref_squeeze %dma_start3A_58 : memref<1x1024x768xf32, #tpu.memory_space<hbm>> -> memref<1024x768xf32, #tpu.memory_space<hbm>>
      tpu.enqueue_dma source(%arg5 : memref<1024x768xf32, #tpu.memory_space<vmem_shared>>) target(%dma_start3A_59 : memref<1024x768xf32, #tpu.memory_space<hbm>>) target_semaphore(%arg7 : memref<!tpu.dma_semaphore, #tpu.memory_space<semaphore_mem>>)
      %add3A_60 = arith.constant 6 : i32
      %add3A_61 = arith.addi %add3A_24, %add3A_60 : i32
      %dma_start3A_62 = arith.constant 0 : i32
      %dma_start3A_63 = arith.constant 0 : i32
      %dma_start3A_64 = tpu.memref_slice %arg3[%add3A_61, %dma_start3A_62, %dma_start3A_63] : memref<64x1024x768xf32, #tpu.memory_space<hbm>> -> memref<1x1024x768xf32, #tpu.memory_space<hbm>>
      %dma_start3A_65 = tpu.memref_squeeze %dma_start3A_64 : memref<1x1024x768xf32, #tpu.memory_space<hbm>> -> memref<1024x768xf32, #tpu.memory_space<hbm>>
      tpu.enqueue_dma source(%arg5 : memref<1024x768xf32, #tpu.memory_space<vmem_shared>>) target(%dma_start3A_65 : memref<1024x768xf32, #tpu.memory_space<hbm>>) target_semaphore(%arg7 : memref<!tpu.dma_semaphore, #tpu.memory_space<semaphore_mem>>)
      %add3A_66 = arith.constant 7 : i32
      %add3A_67 = arith.addi %add3A_24, %add3A_66 : i32
      %dma_start3A_68 = arith.constant 0 : i32
      %dma_start3A_69 = arith.constant 0 : i32
      %dma_start3A_70 = tpu.memref_slice %arg3[%add3A_67, %dma_start3A_68, %dma_start3A_69] : memref<64x1024x768xf32, #tpu.memory_space<hbm>> -> memref<1x1024x768xf32, #tpu.memory_space<hbm>>
      %dma_start3A_71 = tpu.memref_squeeze %dma_start3A_70 : memref<1x1024x768xf32, #tpu.memory_space<hbm>> -> memref<1024x768xf32, #tpu.memory_space<hbm>>
      tpu.enqueue_dma source(%arg5 : memref<1024x768xf32, #tpu.memory_space<vmem_shared>>) target(%dma_start3A_71 : memref<1024x768xf32, #tpu.memory_space<hbm>>) target_semaphore(%arg7 : memref<!tpu.dma_semaphore, #tpu.memory_space<semaphore_mem>>)
      %add3A_72 = arith.constant 8 : i32
      %add3A_73 = arith.addi %add3A_24, %add3A_72 : i32
      %dma_start3A_74 = arith.constant 0 : i32
      %dma_start3A_75 = arith.constant 0 : i32
      %dma_start3A_76 = tpu.memref_slice %arg3[%add3A_73, %dma_start3A_74, %dma_start3A_75] : memref<64x1024x768xf32, #tpu.memory_space<hbm>> -> memref<1x1024x768xf32, #tpu.memory_space<hbm>>
      %dma_start3A_77 = tpu.memref_squeeze %dma_start3A_76 : memref<1x1024x768xf32, #tpu.memory_space<hbm>> -> memref<1024x768xf32, #tpu.memory_space<hbm>>
      tpu.enqueue_dma source(%arg5 : memref<1024x768xf32, #tpu.memory_space<vmem_shared>>) target(%dma_start3A_77 : memref<1024x768xf32, #tpu.memory_space<hbm>>) target_semaphore(%arg7 : memref<!tpu.dma_semaphore, #tpu.memory_space<semaphore_mem>>)
      %add3A_78 = arith.constant 9 : i32
      %add3A_79 = arith.addi %add3A_24, %add3A_78 : i32
      %dma_start3A_80 = arith.constant 0 : i32
      %dma_start3A_81 = arith.constant 0 : i32
      %dma_start3A_82 = tpu.memref_slice %arg3[%add3A_79, %dma_start3A_80, %dma_start3A_81] : memref<64x1024x768xf32, #tpu.memory_space<hbm>> -> memref<1x1024x768xf32, #tpu.memory_space<hbm>>
      %dma_start3A_83 = tpu.memref_squeeze %dma_start3A_82 : memref<1x1024x768xf32, #tpu.memory_space<hbm>> -> memref<1024x768xf32, #tpu.memory_space<hbm>>
      tpu.enqueue_dma source(%arg5 : memref<1024x768xf32, #tpu.memory_space<vmem_shared>>) target(%dma_start3A_83 : memref<1024x768xf32, #tpu.memory_space<hbm>>) target_semaphore(%arg7 : memref<!tpu.dma_semaphore, #tpu.memory_space<semaphore_mem>>)
      %add3A_84 = arith.constant 10 : i32
      %add3A_85 = arith.addi %add3A_24, %add3A_84 : i32
      %dma_start3A_86 = arith.constant 0 : i32
      %dma_start3A_87 = arith.constant 0 : i32
      %dma_start3A_88 = tpu.memref_slice %arg3[%add3A_85, %dma_start3A_86, %dma_start3A_87] : memref<64x1024x768xf32, #tpu.memory_space<hbm>> -> memref<1x1024x768xf32, #tpu.memory_space<hbm>>
      %dma_start3A_89 = tpu.memref_squeeze %dma_start3A_88 : memref<1x1024x768xf32, #tpu.memory_space<hbm>> -> memref<1024x768xf32, #tpu.memory_space<hbm>>
      tpu.enqueue_dma source(%arg5 : memref<1024x768xf32, #tpu.memory_space<vmem_shared>>) target(%dma_start3A_89 : memref<1024x768xf32, #tpu.memory_space<hbm>>) target_semaphore(%arg7 : memref<!tpu.dma_semaphore, #tpu.memory_space<semaphore_mem>>)
      %add3A_90 = arith.constant 11 : i32
      %add3A_91 = arith.addi %add3A_24, %add3A_90 : i32
      %dma_start3A_92 = arith.constant 0 : i32
      %dma_start3A_93 = arith.constant 0 : i32
      %dma_start3A_94 = tpu.memref_slice %arg3[%add3A_91, %dma_start3A_92, %dma_start3A_93] : memref<64x1024x768xf32, #tpu.memory_space<hbm>> -> memref<1x1024x768xf32, #tpu.memory_space<hbm>>
      %dma_start3A_95 = tpu.memref_squeeze %dma_start3A_94 : memref<1x1024x768xf32, #tpu.memory_space<hbm>> -> memref<1024x768xf32, #tpu.memory_space<hbm>>
      tpu.enqueue_dma source(%arg5 : memref<1024x768xf32, #tpu.memory_space<vmem_shared>>) target(%dma_start3A_95 : memref<1024x768xf32, #tpu.memory_space<hbm>>) target_semaphore(%arg7 : memref<!tpu.dma_semaphore, #tpu.memory_space<semaphore_mem>>)
    } else {
    }
    %scan3A = arith.constant 0 : i32
    %scan3A_5 = arith.constant 0 : i32
    %scan3A_6 = arith.constant 40 : i32
    %scan3A_7 = arith.addi %scan3A_5, %scan3A_6 : i32
    %scan3A_8 = arith.constant 1 : i32
    scf.for %scan3A_21 = %scan3A_5 to %scan3A_7 step %scan3A_8  : i32 {
      %dma_start3A = arith.constant 0 : i32
      %dma_start3A_22 = tpu.memref_slice %arg3[%scan3A_21, %mul3A_2, %dma_start3A] : memref<64x1024x768xf32, #tpu.memory_space<hbm>> -> memref<1x32x768xf32, #tpu.memory_space<hbm>>
      %dma_start3A_23 = tpu.memref_squeeze %dma_start3A_22 : memref<1x32x768xf32, #tpu.memory_space<hbm>> -> memref<32x768xf32, #tpu.memory_space<hbm>>
      %dma_start3A_24 = arith.constant 0 : i32
      %dma_start3A_25 = tpu.memref_slice %arg3[%scan3A_21, %mul3A_2, %dma_start3A_24] : memref<64x1024x768xf32, #tpu.memory_space<hbm>> -> memref<1x32x768xf32, #tpu.memory_space<hbm>>
      %dma_start3A_26 = tpu.memref_squeeze %dma_start3A_25 : memref<1x32x768xf32, #tpu.memory_space<hbm>> -> memref<32x768xf32, #tpu.memory_space<hbm>>
      tpu.enqueue_dma source(%arg4 : memref<32x768xf32, #tpu.memory_space<vmem>>) target(%dma_start3A_26 : memref<32x768xf32, #tpu.memory_space<hbm>>) target_semaphore(%arg6 : memref<!tpu.dma_semaphore, #tpu.memory_space<semaphore_mem>>)
    }
    %scan3A_9 = arith.constant 40 : i32
    %scan3A_10 = arith.constant 0 : i32
    %scan3A_11 = arith.constant 0 : i32
    %scan3A_12 = arith.constant 40 : i32
    %scan3A_13 = arith.addi %scan3A_11, %scan3A_12 : i32
    %scan3A_14 = arith.constant 1 : i32
    scf.for %scan3A_21 = %scan3A_11 to %scan3A_13 step %scan3A_14  : i32 {
      %dma_wait3A = arith.constant 0 : i32
      %dma_wait3A_22 = arith.constant 0 : i32
      %dma_wait3A_23 = tpu.memref_slice %arg3[%dma_wait3A, %mul3A_2, %dma_wait3A_22] : memref<64x1024x768xf32, #tpu.memory_space<hbm>> -> memref<1x32x768xf32, #tpu.memory_space<hbm>>
      %dma_wait3A_24 = tpu.memref_squeeze %dma_wait3A_23 : memref<1x32x768xf32, #tpu.memory_space<hbm>> -> memref<32x768xf32, #tpu.memory_space<hbm>>
      %dma_wait3A_25 = arith.constant 0 : i32
      %dma_wait3A_26 = tpu.memref_slice %arg3[%dma_wait3A, %mul3A_2, %dma_wait3A_25] : memref<64x1024x768xf32, #tpu.memory_space<hbm>> -> memref<1x32x768xf32, #tpu.memory_space<hbm>>
      %dma_wait3A_27 = tpu.memref_squeeze %dma_wait3A_26 : memref<1x32x768xf32, #tpu.memory_space<hbm>> -> memref<32x768xf32, #tpu.memory_space<hbm>>
      tpu.wait_dma2 semaphore(%arg6 : memref<!tpu.dma_semaphore, #tpu.memory_space<semaphore_mem>>) src(%arg4 : memref<32x768xf32, #tpu.memory_space<vmem>>) dst(%dma_wait3A_27 : memref<32x768xf32, #tpu.memory_space<hbm>>)
    }
    %scan3A_15 = arith.constant 40 : i32
    %eq3A_16 = arith.constant 0 : i32
    %eq3A_17 = arith.cmpi eq, %arg1, %eq3A_16 : i32
    %convert_element_type3A_18 = arith.extui %eq3A_17 : i1 to i32
    %cond3A_19 = arith.constant 0 : i32
    %cond3A_20 = arith.cmpi ne, %convert_element_type3A_18, %cond3A_19 : i32
    scf.if %cond3A_20 {
      %dma_wait3A = arith.constant 0 : i32
      %dma_wait3A_21 = arith.constant 0 : i32
      %dma_wait3A_22 = arith.constant 0 : i32
      %dma_wait3A_23 = tpu.memref_slice %arg3[%dma_wait3A, %dma_wait3A_21, %dma_wait3A_22] : memref<64x1024x768xf32, #tpu.memory_space<hbm>> -> memref<1x1024x768xf32, #tpu.memory_space<hbm>>
      %dma_wait3A_24 = tpu.memref_squeeze %dma_wait3A_23 : memref<1x1024x768xf32, #tpu.memory_space<hbm>> -> memref<1024x768xf32, #tpu.memory_space<hbm>>
      tpu.wait_dma2 semaphore(%arg7 : memref<!tpu.dma_semaphore, #tpu.memory_space<semaphore_mem>>) src(%arg5 : memref<1024x768xf32, #tpu.memory_space<vmem_shared>>) dst(%dma_wait3A_24 : memref<1024x768xf32, #tpu.memory_space<hbm>>)
      %dma_wait3A_25 = arith.constant 0 : i32
      %dma_wait3A_26 = arith.constant 0 : i32
      %dma_wait3A_27 = arith.constant 0 : i32
      %dma_wait3A_28 = tpu.memref_slice %arg3[%dma_wait3A_25, %dma_wait3A_26, %dma_wait3A_27] : memref<64x1024x768xf32, #tpu.memory_space<hbm>> -> memref<1x1024x768xf32, #tpu.memory_space<hbm>>
      %dma_wait3A_29 = tpu.memref_squeeze %dma_wait3A_28 : memref<1x1024x768xf32, #tpu.memory_space<hbm>> -> memref<1024x768xf32, #tpu.memory_space<hbm>>
      tpu.wait_dma2 semaphore(%arg7 : memref<!tpu.dma_semaphore, #tpu.memory_space<semaphore_mem>>) src(%arg5 : memref<1024x768xf32, #tpu.memory_space<vmem_shared>>) dst(%dma_wait3A_29 : memref<1024x768xf32, #tpu.memory_space<hbm>>)
      %dma_wait3A_30 = arith.constant 0 : i32
      %dma_wait3A_31 = arith.constant 0 : i32
      %dma_wait3A_32 = arith.constant 0 : i32
      %dma_wait3A_33 = tpu.memref_slice %arg3[%dma_wait3A_30, %dma_wait3A_31, %dma_wait3A_32] : memref<64x1024x768xf32, #tpu.memory_space<hbm>> -> memref<1x1024x768xf32, #tpu.memory_space<hbm>>
      %dma_wait3A_34 = tpu.memref_squeeze %dma_wait3A_33 : memref<1x1024x768xf32, #tpu.memory_space<hbm>> -> memref<1024x768xf32, #tpu.memory_space<hbm>>
      tpu.wait_dma2 semaphore(%arg7 : memref<!tpu.dma_semaphore, #tpu.memory_space<semaphore_mem>>) src(%arg5 : memref<1024x768xf32, #tpu.memory_space<vmem_shared>>) dst(%dma_wait3A_34 : memref<1024x768xf32, #tpu.memory_space<hbm>>)
      %dma_wait3A_35 = arith.constant 0 : i32
      %dma_wait3A_36 = arith.constant 0 : i32
      %dma_wait3A_37 = arith.constant 0 : i32
      %dma_wait3A_38 = tpu.memref_slice %arg3[%dma_wait3A_35, %dma_wait3A_36, %dma_wait3A_37] : memref<64x1024x768xf32, #tpu.memory_space<hbm>> -> memref<1x1024x768xf32, #tpu.memory_space<hbm>>
      %dma_wait3A_39 = tpu.memref_squeeze %dma_wait3A_38 : memref<1x1024x768xf32, #tpu.memory_space<hbm>> -> memref<1024x768xf32, #tpu.memory_space<hbm>>
      tpu.wait_dma2 semaphore(%arg7 : memref<!tpu.dma_semaphore, #tpu.memory_space<semaphore_mem>>) src(%arg5 : memref<1024x768xf32, #tpu.memory_space<vmem_shared>>) dst(%dma_wait3A_39 : memref<1024x768xf32, #tpu.memory_space<hbm>>)
      %dma_wait3A_40 = arith.constant 0 : i32
      %dma_wait3A_41 = arith.constant 0 : i32
      %dma_wait3A_42 = arith.constant 0 : i32
      %dma_wait3A_43 = tpu.memref_slice %arg3[%dma_wait3A_40, %dma_wait3A_41, %dma_wait3A_42] : memref<64x1024x768xf32, #tpu.memory_space<hbm>> -> memref<1x1024x768xf32, #tpu.memory_space<hbm>>
      %dma_wait3A_44 = tpu.memref_squeeze %dma_wait3A_43 : memref<1x1024x768xf32, #tpu.memory_space<hbm>> -> memref<1024x768xf32, #tpu.memory_space<hbm>>
      tpu.wait_dma2 semaphore(%arg7 : memref<!tpu.dma_semaphore, #tpu.memory_space<semaphore_mem>>) src(%arg5 : memref<1024x768xf32, #tpu.memory_space<vmem_shared>>) dst(%dma_wait3A_44 : memref<1024x768xf32, #tpu.memory_space<hbm>>)
      %dma_wait3A_45 = arith.constant 0 : i32
      %dma_wait3A_46 = arith.constant 0 : i32
      %dma_wait3A_47 = arith.constant 0 : i32
      %dma_wait3A_48 = tpu.memref_slice %arg3[%dma_wait3A_45, %dma_wait3A_46, %dma_wait3A_47] : memref<64x1024x768xf32, #tpu.memory_space<hbm>> -> memref<1x1024x768xf32, #tpu.memory_space<hbm>>
      %dma_wait3A_49 = tpu.memref_squeeze %dma_wait3A_48 : memref<1x1024x768xf32, #tpu.memory_space<hbm>> -> memref<1024x768xf32, #tpu.memory_space<hbm>>
      tpu.wait_dma2 semaphore(%arg7 : memref<!tpu.dma_semaphore, #tpu.memory_space<semaphore_mem>>) src(%arg5 : memref<1024x768xf32, #tpu.memory_space<vmem_shared>>) dst(%dma_wait3A_49 : memref<1024x768xf32, #tpu.memory_space<hbm>>)
      %dma_wait3A_50 = arith.constant 0 : i32
      %dma_wait3A_51 = arith.constant 0 : i32
      %dma_wait3A_52 = arith.constant 0 : i32
      %dma_wait3A_53 = tpu.memref_slice %arg3[%dma_wait3A_50, %dma_wait3A_51, %dma_wait3A_52] : memref<64x1024x768xf32, #tpu.memory_space<hbm>> -> memref<1x1024x768xf32, #tpu.memory_space<hbm>>
      %dma_wait3A_54 = tpu.memref_squeeze %dma_wait3A_53 : memref<1x1024x768xf32, #tpu.memory_space<hbm>> -> memref<1024x768xf32, #tpu.memory_space<hbm>>
      tpu.wait_dma2 semaphore(%arg7 : memref<!tpu.dma_semaphore, #tpu.memory_space<semaphore_mem>>) src(%arg5 : memref<1024x768xf32, #tpu.memory_space<vmem_shared>>) dst(%dma_wait3A_54 : memref<1024x768xf32, #tpu.memory_space<hbm>>)
      %dma_wait3A_55 = arith.constant 0 : i32
      %dma_wait3A_56 = arith.constant 0 : i32
      %dma_wait3A_57 = arith.constant 0 : i32
      %dma_wait3A_58 = tpu.memref_slice %arg3[%dma_wait3A_55, %dma_wait3A_56, %dma_wait3A_57] : memref<64x1024x768xf32, #tpu.memory_space<hbm>> -> memref<1x1024x768xf32, #tpu.memory_space<hbm>>
      %dma_wait3A_59 = tpu.memref_squeeze %dma_wait3A_58 : memref<1x1024x768xf32, #tpu.memory_space<hbm>> -> memref<1024x768xf32, #tpu.memory_space<hbm>>
      tpu.wait_dma2 semaphore(%arg7 : memref<!tpu.dma_semaphore, #tpu.memory_space<semaphore_mem>>) src(%arg5 : memref<1024x768xf32, #tpu.memory_space<vmem_shared>>) dst(%dma_wait3A_59 : memref<1024x768xf32, #tpu.memory_space<hbm>>)
      %dma_wait3A_60 = arith.constant 0 : i32
      %dma_wait3A_61 = arith.constant 0 : i32
      %dma_wait3A_62 = arith.constant 0 : i32
      %dma_wait3A_63 = tpu.memref_slice %arg3[%dma_wait3A_60, %dma_wait3A_61, %dma_wait3A_62] : memref<64x1024x768xf32, #tpu.memory_space<hbm>> -> memref<1x1024x768xf32, #tpu.memory_space<hbm>>
      %dma_wait3A_64 = tpu.memref_squeeze %dma_wait3A_63 : memref<1x1024x768xf32, #tpu.memory_space<hbm>> -> memref<1024x768xf32, #tpu.memory_space<hbm>>
      tpu.wait_dma2 semaphore(%arg7 : memref<!tpu.dma_semaphore, #tpu.memory_space<semaphore_mem>>) src(%arg5 : memref<1024x768xf32, #tpu.memory_space<vmem_shared>>) dst(%dma_wait3A_64 : memref<1024x768xf32, #tpu.memory_space<hbm>>)
      %dma_wait3A_65 = arith.constant 0 : i32
      %dma_wait3A_66 = arith.constant 0 : i32
      %dma_wait3A_67 = arith.constant 0 : i32
      %dma_wait3A_68 = tpu.memref_slice %arg3[%dma_wait3A_65, %dma_wait3A_66, %dma_wait3A_67] : memref<64x1024x768xf32, #tpu.memory_space<hbm>> -> memref<1x1024x768xf32, #tpu.memory_space<hbm>>
      %dma_wait3A_69 = tpu.memref_squeeze %dma_wait3A_68 : memref<1x1024x768xf32, #tpu.memory_space<hbm>> -> memref<1024x768xf32, #tpu.memory_space<hbm>>
      tpu.wait_dma2 semaphore(%arg7 : memref<!tpu.dma_semaphore, #tpu.memory_space<semaphore_mem>>) src(%arg5 : memref<1024x768xf32, #tpu.memory_space<vmem_shared>>) dst(%dma_wait3A_69 : memref<1024x768xf32, #tpu.memory_space<hbm>>)
      %dma_wait3A_70 = arith.constant 0 : i32
      %dma_wait3A_71 = arith.constant 0 : i32
      %dma_wait3A_72 = arith.constant 0 : i32
      %dma_wait3A_73 = tpu.memref_slice %arg3[%dma_wait3A_70, %dma_wait3A_71, %dma_wait3A_72] : memref<64x1024x768xf32, #tpu.memory_space<hbm>> -> memref<1x1024x768xf32, #tpu.memory_space<hbm>>
      %dma_wait3A_74 = tpu.memref_squeeze %dma_wait3A_73 : memref<1x1024x768xf32, #tpu.memory_space<hbm>> -> memref<1024x768xf32, #tpu.memory_space<hbm>>
      tpu.wait_dma2 semaphore(%arg7 : memref<!tpu.dma_semaphore, #tpu.memory_space<semaphore_mem>>) src(%arg5 : memref<1024x768xf32, #tpu.memory_space<vmem_shared>>) dst(%dma_wait3A_74 : memref<1024x768xf32, #tpu.memory_space<hbm>>)
      %dma_wait3A_75 = arith.constant 0 : i32
      %dma_wait3A_76 = arith.constant 0 : i32
      %dma_wait3A_77 = arith.constant 0 : i32
      %dma_wait3A_78 = tpu.memref_slice %arg3[%dma_wait3A_75, %dma_wait3A_76, %dma_wait3A_77] : memref<64x1024x768xf32, #tpu.memory_space<hbm>> -> memref<1x1024x768xf32, #tpu.memory_space<hbm>>
      %dma_wait3A_79 = tpu.memref_squeeze %dma_wait3A_78 : memref<1x1024x768xf32, #tpu.memory_space<hbm>> -> memref<1024x768xf32, #tpu.memory_space<hbm>>
      tpu.wait_dma2 semaphore(%arg7 : memref<!tpu.dma_semaphore, #tpu.memory_space<semaphore_mem>>) src(%arg5 : memref<1024x768xf32, #tpu.memory_space<vmem_shared>>) dst(%dma_wait3A_79 : memref<1024x768xf32, #tpu.memory_space<hbm>>)
    } else {
    }
    return
  }
}

</mosaic_0001>

<sc_bundles>
// kernel: kernel.3.cloned.1.call-start
scs
__scs_entry_jumppad:
0x0: {  	(pc) =	sbr.rel $0x88, $3  }
0x1: {  	(tag) =	ssettag $0x0;
	lr =	simm.s32 $0x1  }
0x2: {  	[smem:$0x3FA0] =	sst lr;
	_ =	strace $0xD0000000  }
0x3: {  	_ = 	snop  }
0x4: {  	_ = 	snop  }
0x5: {  	_ = 	snop  }
0x6: {  	_ = 	snop  }
0x7: {  	_ = 	snop  }
__scs_overlays_trampoline_lowered:
0x8: {  	[smem:$0x3FAF] =	sst s0  }
0x9: {  	[smem:$0x3FB0] =	sst s1  }
0xa: {  	[smem:$0x3FB1] =	sst s2  }
0xb: {  	[smem:$0x3FB2] =	sst s3  }
0xc: {  	[smem:$0x3FB3] =	sst s4  }
0xd: {  	[smem:$0x3FB4] =	sst s5  }
0xe: {  	[smem:$0x3FB5] =	sst s6  }
0xf: {  	[smem:$0x3FB6] =	sst s7  }
0x10: {  	[smem:$0x3FB7] =	sst s8  }
0x11: {  	[smem:$0x3FB8] =	sst s9;
	s0 =	simm.s32 @!p0 $0x0  }
0x12: {  	s1 =	sld [smem:$0x3F9E];
	s0 =	simm.s32 @p0 $0x1  }
0x13: {  	[smem:$0x3FB9] =	sst s0;
	s0 =	simm.s32 @!p1 $0x0  }
0x14: {  	s2 =	sld [smem:$0x3F9D];
	s0 =	simm.s32 @p1 $0x1  }
0x15: {  	[smem:$0x3FBA] =	sst s0;
	s0 =	simm.s32 @!p2 $0x0  }
0x16: {  	s3 =	sld [smem:$0x3FDB];
	s0 =	simm.s32 @p2 $0x1  }
0x17: {  	s4 =	simm.s32 $0x1BF5;
	[smem:$0x3FBC] =	sst s0  }
0x18: {  	s0 =	sld [smem:$0x3F9F];
	_ =	swait.ge [sflag:s4], $0x0  }
0x19: {  	s7 =	sld [smem:$0x3FA0]  }
0x1a: {  	s8 =	sadd.s32 $0xFFFFE003, lr  }
0x1b: {  	s9 =	sadd.s32 $0xFFFFFEF7, lr;
	s5 =	simm.s32 $0xFFFFFFFF;
	p2 =	slt.u32 s8, $0xFFFFF086  }
0x1c: {  	p1 =	slt.u32 s9, $0xF7A;
	s5 =	simm.s32 @!p2 $0x0  }
0x1d: {  	s5 =	simm.s32 @p1 $0x1;
	p0 =	seq.s32 s7, s2  }
0x1e: {  	s7 =	smul.u32 @!p0 $0xF7A, s2;
	p2 =	seq.s32 @!p0 s5, $0x0  }
0x1f: {  	s9 =	smul.u32 $0xF7A, s1;
	s8 =	simm.s32 @!p0 $0x1BF5;
	p2 =	por !p2, p0  }
0x20: {  	[sflag:s8] =	ssyncset.s32 @!p0 $0xFFFFF086;
	s6 =	sadd.s32 @!p0 s3, s7;
	s7 =	simm.s32 @!p0 $0x108  }
0x21: {  	s3 =	sadd.s32 s3, s9;
	s6 =	sadd.s32 @!p0 $0x88, s6;
	s7 =	simm.s32 @p2 $0x1082  }
0x22: {  	[simem:s7], [sflag:s8] =	dma.local @!p0 [hbm:s6], $0xF7A  }
0x23: {  	s9 =	sor.u32 $0xD0000000, s2;
	s6 =	simm.s32 $0x108;
	_ =	swait.ge @!p0 [sflag:s8], $0x0  }
0x24: {  	s3 =	sadd.s32 $0x88, s3;
	s6 =	simm.s32 @!p1 $0x1082;
	[sflag:s4] =	ssyncset.s32 $0xFFFFF086  }
0x25: {  	[simem:s6], [sflag:s4] =	dma.local [hbm:s3], $0xF7A  }
0x26: {  	[smem:$0x3FA0] =	sst s1;
	(tag) =	ssettag s2;
	_ =	strace s9  }
0x27: {  	s1 =	sld [smem:$0x3FB0]  }
0x28: {  	s2 =	sld [smem:$0x3FB1]  }
0x29: {  	s4 =	sld [smem:$0x3FB3]  }
0x2a: {  	p0 =	seq.s32 s5, $0x0;
	s5 =	sld [smem:$0x3FB4]  }
0x2b: {  	s6 =	sld [smem:$0x3FB5]  }
0x2c: {  	s7 =	sld [smem:$0x3FB6]  }
0x2d: {  	s3 =	simm.s32 $0x108;
	s8 =	sld [smem:$0x3FB7]  }
0x2e: {  	s3 =	simm.s32 @!p0 $0x1082;
	s9 =	sld [smem:$0x3FB8]  }
0x2f: {  	lr =	sadd.s32 s0, s3;
	s0 =	sld [smem:$0x3FAF]  }
0x30: {  	s3 =	sld [smem:$0x3FB2]  }
0x31: {  	[smem:$0x3FBB] =	sst s10  }
0x32: {  	s10 =	sld [smem:$0x3FB9];
	_ =	sdelay $0x3  }
0x33: {  	p0 =	seq.s32 s10, $0x1;
	s10 =	sld [smem:$0x3FBB];
	_ =	sdelay $0x3  }
0x34: {  	[smem:$0x3FBB] =	sst s10  }
0x35: {  	s10 =	sld [smem:$0x3FBA];
	_ =	sdelay $0x3  }
0x36: {  	p1 =	seq.s32 s10, $0x1;
	s10 =	sld [smem:$0x3FBB];
	_ =	sdelay $0x3  }
0x37: {  	[smem:$0x3FBB] =	sst s10  }
0x38: {  	s10 =	sld [smem:$0x3FBC]  }
0x39: {  	_ = 	snop;
	(pc) =	sbr.ind lr, $3  }
0x3a: {  	_ = 	snop  }
0x3b: {  	_ = 	snop  }
0x3c: {  	p2 =	seq.s32 s10, $0x1;
	s10 =	sld [smem:$0x3FBB]  }
0x3d: {  	_ =	shalt  }
0x3e: {  	_ =	shalt  }
0x3f: {  	_ =	shalt  }
0x40: {  	_ =	shalt  }
0x41: {  	_ =	shalt  }
0x42: {  	_ =	shalt  }
0x43: {  	_ =	shalt  }
0x44: {  	_ =	shalt  }
0x45: {  	_ =	shalt  }
0x46: {  	_ =	shalt  }
0x47: {  	_ =	shalt  }
0x48: {  	_ =	shalt  }
0x49: {  	_ =	shalt  }
0x4a: {  	_ =	shalt  }
0x4b: {  	_ =	shalt  }
0x4c: {  	_ =	shalt  }
0x4d: {  	_ =	shalt  }
0x4e: {  	_ =	shalt  }
0x4f: {  	_ =	shalt  }
0x50: {  	_ =	shalt  }
0x51: {  	_ =	shalt  }
0x52: {  	_ =	shalt  }
0x53: {  	_ =	shalt  }
0x54: {  	_ =	shalt  }
0x55: {  	_ =	shalt  }
0x56: {  	_ =	shalt  }
0x57: {  	_ =	shalt  }
0x58: {  	_ =	shalt  }
0x59: {  	_ =	shalt  }
0x5a: {  	_ =	shalt  }
0x5b: {  	_ =	shalt  }
0x5c: {  	_ =	shalt  }
0x5d: {  	_ =	shalt  }
0x5e: {  	_ =	shalt  }
0x5f: {  	_ =	shalt  }
0x60: {  	_ =	shalt  }
0x61: {  	_ =	shalt  }
0x62: {  	_ =	shalt  }
0x63: {  	_ =	shalt  }
0x64: {  	_ =	shalt  }
0x65: {  	_ =	shalt  }
0x66: {  	_ =	shalt  }
0x67: {  	_ =	shalt  }
0x68: {  	_ =	shalt  }
0x69: {  	_ =	shalt  }
0x6a: {  	_ =	shalt  }
0x6b: {  	_ =	shalt  }
0x6c: {  	_ =	shalt  }
0x6d: {  	_ =	shalt  }
0x6e: {  	_ =	shalt  }
0x6f: {  	_ =	shalt  }
0x70: {  	_ =	shalt  }
0x71: {  	_ =	shalt  }
0x72: {  	_ =	shalt  }
0x73: {  	_ =	shalt  }
0x74: {  	_ =	shalt  }
0x75: {  	_ =	shalt  }
0x76: {  	_ =	shalt  }
0x77: {  	_ =	shalt  }
0x78: {  	_ =	shalt  }
0x79: {  	_ =	shalt  }
0x7a: {  	_ =	shalt  }
0x7b: {  	_ =	shalt  }
0x7c: {  	_ =	shalt  }
0x7d: {  	_ =	shalt  }
0x7e: {  	_ =	shalt  }
0x7f: {  	_ =	shalt  }
0x80: {  	_ =	shalt  }
0x81: {  	_ =	shalt  }
0x82: {  	_ =	shalt  }
0x83: {  	_ =	shalt  }
0x84: {  	_ =	shalt  }
0x85: {  	_ =	shalt  }
0x86: {  	_ =	shalt  }
0x87: {  	_ =	shalt  }
.Lfunc_end0:
.L_simem_size_0:
called_computation_lowered:
.L_overlay_start_0:
0x88: {  	s2 =	sld [smem:$0x3FD9]  }
0x89: {  	s3 =	sld [smem:$0x3FFE];
	_ =	sdelay $0x1  }
0x8a: {  	s1 =	srdreg.scid  }
0x8b: {  	s0 =	sand.u32 $0x1, s1  }
0x8c: {  	s18 =	sshll.u32 s0, $0xA;
	s2 =	sadd.s32 s3, s2  }
0x8d: {  	s2 =	sadd.s32 s2, s18  }
0x8e: {  	[smem:$0x3FC7] =	sst s2  }
0x8f: {  	_ = 	snop  }
0x90: {  	s2 =	sld [smem:$0x3FC9]  }
0x91: {  	s19 =	sld [smem:$0x3FD0];
	(tm) =	ssettm $0x1  }
0x92: {  	s4 =	sld [smem:$0x3FFB];
	_ =	sdelay $0x3  }
0x93: {  	_ =	strace s4  }
0x94: {  	s4 =	sld [smem:$0x3FFC];
	_ =	sdelay $0x3  }
0x95: {  	_ =	strace s4  }
0x96: {  	s4 =	sld [smem:$0x3FFD];
	_ =	sdelay $0x3  }
0x97: {  	_ =	strace s4  }
0x98: {  	_ =	strace $0x8FFFFFFF  }
0x99: {  	s20 =	sld [smem:$0x3FDB];
	_ =	sdelay $0x1  }
0x9a: {  	s5 =	simm.s32 $_scs_section_size  }
0x9b: {  	s6 =	simm.s32 $_size__tile_overlayer_lowered;
	s7 =	simm.s32 $_tile_overlayer_lowered  }
0x9c: {  	s23 =	simm.s32 $0x1BFF;
	s22 =	sshll.u32 s7, $0x1;
	s4 =	sadd.s32 s5, s20  }
0x9d: {  	s8 =	simm.s32 $0x0;
	s21 =	sshll.u32 s6, $0x1;
	s6 =	sadd.s32 s22, s4  }
0x9e: {  	[timem:s8], [sflag:s23] =	dma.local [hbm:s6], s21  }
0x9f: {  	_ =	swait.ge [sflag:s23], s21  }
0xa0: {  	s5 =	ssub.s32 $0x0, s21;
	[sflag:s23] =	ssyncset.done $0x0  }
0xa1: {  	[sflag:s23] =	ssyncadd.s32 s5;
	_ =	sdelay $0x1  }
0xa2: {  	s24 =	simm.s32 $0x1B8B  }
0xa3: {  	_ =	swait.ge [sflag:s24], $0x1  }
0xa4: {  	[sflag:s24] =	ssyncset.done $0x0  }
0xa5: {  	s25 =	simm.s32 $0x1B8E;
	[sflag:s24] =	ssyncadd.s32 $0xFFFFFFFF  }
0xa6: {  	s26 =	simm.s32 $execute0_lowered;
	[smem:$0x3FD2] =	sst s25  }
0xa7: {  	s5 =	sshll.u32 s26, $0x1;
	_ =	strace $0x80000046;
	[dreg:$0x1] =	wrdreg $0xFFFFFFFF  }
0xa8: {  	s28 =	simm.s32 $_size_execute0_lowered;
	s4 =	sadd.s32 s4, s5;
	[dreg:$0x0] =	wrdreg $0x0  }
0xa9: {  	s5 =	sshll.u32 s28, $0x1;
	[dreg:$0x2] =	wrdreg s4  }
0xaa: {  	[dreg:$0x3] =	wrdreg s5  }
0xab: {  	[dreg:$0x4] =	wrdreg $0xC0  }
0xac: {  	_ =	task [dreg:s8], $0x5FFFF  }
0xad: {  	[dreg:$0x1] =	wrdreg $0xFFFFFFFF  }
0xae: {  	[dreg:$0x0] =	wrdreg $0x60  }
0xaf: {  	[dreg:$0x2] =	wrdreg s2  }
0xb0: {  	[dreg:$0x3] =	wrdreg s19  }
0xb1: {  	[dreg:$0x4] =	wrdreg $0x60000  }
0xb2: {  	[dreg:$0x5] =	wrdreg $0x9  }
0xb3: {  	_ =	task.clear_ibuf [dreg:s8], $0x6FFFF;
	_ =	strace $0x90000046  }
0xb4: {  	s29 =	simm.s32 $0x9;
	_ =	strace $0x80000048  }
0xb5: {  	_ =	swait.ge [sflag:s29], $0x1  }
0xb6: {  	[sflag:s29] =	ssyncadd.s32 $0xFFFFFFFF  }
0xb7: {  	_ =	strace $0x90000048  }
0xb8: {  	_ =	sfence  }
0xb9: {  	s30 =	sld [smem:$0x0];
	_ =	sdelay $0x2  }
0xba: {  	s31 =	sshll.u32 s1, $0xD;
	s1 =	sshrl.u32 s1, $0x2  }
0xbb: {  	s3 =	sand.u32 $0x4000, s31;
	s1 =	sadd.s32 s1, s30  }
0xbc: {  	s0 =	sor.u32 s3, s0;
	s1 =	sshll.u32 s1, $0x11  }
0xbd: {  	s0 =	sor.u32 s1, s0  }
0xbe: {  	s0 =	sadd.s32 $0x8F2B, s0  }
0xbf: {  	[sflag:s0] =	ssyncadd.remote.s32 $0x1  }
0xc0: {  	_ =	sfence.sel $0xFFFF  }
0xc1: {  	[dreg:$0x0] =	wrdreg $0xFFFFFFFF;
	(pc) =	sbr.abs _section_cstart, $3  }
0xc2: {  	[dreg:$0x1] =	wrdreg $0xFFFFFFFF  }
0xc3: {  	_ =	task.clear_ibuf [dreg:s8], $0x2FFFF;
	_ =	strace $0x9FFFFFFF  }
0xc4: {  	(tm) =	ssettm $0x7FFFFFFF  }
0xc5: {  	_ =	shalt  }
tec
execute0_lowered:
.L_overlay_start_1:
0x0: {  	(tag) =	ssettag $0x1  }
0x1: {  	s0 =	rddreg [dreg:$0x0]  }
0x2: {  	s17 =	rddreg [dreg:$0x1];
	s1 =	srdreg.scid  }
0x3: {  	s19 =	rddreg [dreg:$0x2];
	s18 =	stileid.u32;
	s2 =	simm.s32 $0x0  }
0x4: {  	s10 =	sand.u32 $0x1, s1;
	s1 =	rddreg [dreg:$0x3];
	s3 =	sshll.u32 s18, $0x3  }
0x5: {  	[smem:$0x7FF] =	sst s2;
	s20 =	smul.u32 $0xC000, s18;
	p0 =	sne.s32 s18, $0x0  }
0x6: {  	s18 =	simm.s32 $0x3;
	s4 =	sshll.u32 s10, $0x2;
	s31 =	smul.u32 $0x900000, s10  }
0x7: {  	s5 =	ssub.s32 $0x2, s10;
	_ =	strace $0x80000047;
	s21 =	smul.u32 $0x6000, s10  }
0x8: {  	s19 =	sshrl.u32 @!p0 s19, $0x3;
	s3 =	sor.u32 s4, s3;
	s6 =	sshrl.u32 s5, $0x1  }
0x9: {  	s3 =	smul.u32 $0x1800, s3;
	s4 =	sshrl.u32 s31, $0x3;
	s16 =	ssub.s32 s5, s6  }
0xa: {  	s20 =	sadd.s32 s21, s20;
	s21 =	simm.s32 $0x0;
	s15 =	sadd.s32 s17, s4  }
0xb: {  	s16 =	smax.u32 s16, $0x1;
	s20 =	sshrl.u32 s20, $0x3;
	s3 =	sshrl.u32 s3, $0x3  }
0xc: {  	s4 =	sadd.s32 $0x3C0000, s15;
	s5 =	sadd.s32 $0x3D8000, s15;
	s6 =	sadd.s32 $0x3F0000, s15  }
0xd: {  	s7 =	sadd.s32 $0x408000, s15;
	s8 =	sadd.s32 $0x420000, s15;
	s9 =	sadd.s32 $0x438000, s15  }
0xe: {  	s10 =	sadd.s32 $0x450000, s15;
	s11 =	sadd.s32 $0x468000, s15;
	s12 =	sadd.s32 $0x480000, s15  }
0xf: {  	s13 =	sadd.s32 $0x498000, s15;
	s14 =	sadd.s32 $0x4B0000, s15;
	s15 =	sadd.s32 $0x4C8000, s15  }
0x10: {  	s17 =	sadd.s32 s20, s17;
	s20 =	simm.s32 $0x1;
	s3 =	sadd.s32 s0, s3  }
.LBB2_1:
0x11: {  	[tilespmem:s2], [sflag:$0x3] =	stream.linear.gather [hbm4b:s3+s2], $0x6000, $0x38;
	[tilespmem:$0x12000] =	vst v63  }
0x12: {  	_ =	swait.ge [sflag:s18], $0x6000  }
0x13: {  	[sflag:s18] =	ssyncset.done $0x0  }
0x14: {  	s22 =	simm.s32 @!p0 $0x1C03;
	[sflag:s18] =	ssyncadd.s32 $0xFFFFA000  }
0x15: {  	[spmem:s19], [sflag:s22] =	dma.local @!p0 [hbm:s0], $0x18000  }
0x16: {  	s22 =	simm.s32 @!p0 $0x3  }
0x17: {  	_ =	swait.ge @!p0 [sflag:s22], $0x18000  }
0x18: {  	[sflag:s22] =	ssyncset.done @!p0 $0x0  }
0x19: {  	[sflag:s22] =	ssyncadd.s32 @!p0 $0xFFFE8000;
	s22 =	simm.s32 @!p0 $0x1C02  }
0x1a: {  	[hbm:s4], [sflag:s22] =	dma.local @!p0 [spmem:s19], $0x18000  }
0x1b: {  	[hbm:s5], [sflag:s22] =	dma.local @!p0 [spmem:s19], $0x18000  }
0x1c: {  	[hbm:s6], [sflag:s22] =	dma.local @!p0 [spmem:s19], $0x18000  }
0x1d: {  	[hbm:s7], [sflag:s22] =	dma.local @!p0 [spmem:s19], $0x18000  }
0x1e: {  	[hbm:s8], [sflag:s22] =	dma.local @!p0 [spmem:s19], $0x18000  }
0x1f: {  	[hbm:s9], [sflag:s22] =	dma.local @!p0 [spmem:s19], $0x18000  }
0x20: {  	[hbm:s10], [sflag:s22] =	dma.local @!p0 [spmem:s19], $0x18000  }
0x21: {  	[hbm:s11], [sflag:s22] =	dma.local @!p0 [spmem:s19], $0x18000  }
0x22: {  	[hbm:s12], [sflag:s22] =	dma.local @!p0 [spmem:s19], $0x18000  }
0x23: {  	[hbm:s13], [sflag:s22] =	dma.local @!p0 [spmem:s19], $0x18000  }
0x24: {  	[hbm:s14], [sflag:s22] =	dma.local @!p0 [spmem:s19], $0x18000  }
0x25: {  	[hbm:s15], [sflag:s22] =	dma.local @!p0 [spmem:s19], $0x18000  }
0x26: {  	s22 =	simm.s32 $0x0  }
.LBB2_2:
0x27: {  	p1 =	sne.s32 s22, $0x3A8000  }
.Ltmp0:
0x28: {  	_ = 	snop;
	(pc) =	sbr.rel @p1 .LBB2_2-.Ltmp0, $3  }
0x29: {  	_ =	sdelay $0x1  }
0x2a: {  	s23 =	sadd.s32 s22, s17;
	s22 =	sadd.s32 $0x18000, s22  }
0x2b: {  	[hbm4b:s23+s2] =	stream.linear.scatter [tilespmem:s2], [sflag:$0x1], $0x6000, $0x38;
	[tilespmem:$0x12000] =	vst v63  }
0x2c: {  	_ =	swait.ge [sflag:s20], $0x6000  }
0x2d: {  	s22 =	simm.s32 $0x27;
	[sflag:s20] =	ssyncset.done $0x0  }
.LBB2_4:
0x2e: {  	p1 =	sne.s32 s22, $0x1;
	s22 =	sadd.s32 $0xFFFFFFFF, s22;
	[sflag:s20] =	ssyncadd.s32 $0xFFFFA000  }
.Ltmp1:
0x2f: {  	(pc) =	sbr.rel @p1 .LBB2_4-.Ltmp1, $3  }
0x30: {  	_ =	sdelay $0x1  }
0x31: {  	_ =	swait.ge [sflag:s20], $0x6000  }
0x32: {  	[sflag:s20] =	ssyncset.done $0x0  }
0x33: {  	[sflag:s20] =	ssyncadd.s32 $0xFFFFA000;
	s22 =	simm.s32 @!p0 $0x2  }
0x34: {  	_ =	swait.ge @!p0 [sflag:s22], $0x18000  }
0x35: {  	[sflag:s22] =	ssyncset.done @!p0 $0x0  }
0x36: {  	[sflag:s22] =	ssyncadd.s32 @!p0 $0xFFFE8000  }
0x37: {  	_ =	swait.ge @!p0 [sflag:s22], $0x18000  }
0x38: {  	[sflag:s22] =	ssyncset.done @!p0 $0x0  }
0x39: {  	[sflag:s22] =	ssyncadd.s32 @!p0 $0xFFFE8000  }
0x3a: {  	_ =	swait.ge @!p0 [sflag:s22], $0x18000  }
0x3b: {  	[sflag:s22] =	ssyncset.done @!p0 $0x0  }
0x3c: {  	[sflag:s22] =	ssyncadd.s32 @!p0 $0xFFFE8000  }
0x3d: {  	_ =	swait.ge @!p0 [sflag:s22], $0x18000  }
0x3e: {  	[sflag:s22] =	ssyncset.done @!p0 $0x0  }
0x3f: {  	[sflag:s22] =	ssyncadd.s32 @!p0 $0xFFFE8000  }
0x40: {  	_ =	swait.ge @!p0 [sflag:s22], $0x18000  }
0x41: {  	[sflag:s22] =	ssyncset.done @!p0 $0x0  }
0x42: {  	[sflag:s22] =	ssyncadd.s32 @!p0 $0xFFFE8000  }
0x43: {  	_ =	swait.ge @!p0 [sflag:s22], $0x18000  }
0x44: {  	[sflag:s22] =	ssyncset.done @!p0 $0x0  }
0x45: {  	[sflag:s22] =	ssyncadd.s32 @!p0 $0xFFFE8000  }
0x46: {  	_ =	swait.ge @!p0 [sflag:s22], $0x18000  }
0x47: {  	[sflag:s22] =	ssyncset.done @!p0 $0x0  }
0x48: {  	[sflag:s22] =	ssyncadd.s32 @!p0 $0xFFFE8000  }
0x49: {  	_ =	swait.ge @!p0 [sflag:s22], $0x18000  }
0x4a: {  	[sflag:s22] =	ssyncset.done @!p0 $0x0  }
0x4b: {  	[sflag:s22] =	ssyncadd.s32 @!p0 $0xFFFE8000  }
0x4c: {  	_ =	swait.ge @!p0 [sflag:s22], $0x18000  }
0x4d: {  	[sflag:s22] =	ssyncset.done @!p0 $0x0  }
0x4e: {  	[sflag:s22] =	ssyncadd.s32 @!p0 $0xFFFE8000  }
0x4f: {  	_ =	swait.ge @!p0 [sflag:s22], $0x18000  }
0x50: {  	[sflag:s22] =	ssyncset.done @!p0 $0x0  }
0x51: {  	s21 =	sadd.s32 $0x1, s21;
	[sflag:s22] =	ssyncadd.s32 @!p0 $0xFFFE8000  }
0x52: {  	p1 =	sne.s32 s21, s16;
	_ =	swait.ge @!p0 [sflag:s22], $0x18000  }
.Ltmp2:
0x53: {  	[sflag:s22] =	ssyncset.done @!p0 $0x0;
	(pc) =	sbr.rel @p1 .LBB2_1-.Ltmp2, $4  }
0x54: {  	[sflag:s22] =	ssyncadd.s32 @!p0 $0xFFFE8000  }
0x55: {  	_ =	swait.ge @!p0 [sflag:s22], $0x18000  }
0x56: {  	[sflag:s22] =	ssyncset.done @!p0 $0x0  }
0x57: {  	[sflag:s22] =	ssyncadd.s32 @!p0 $0xFFFE8000  }
0x58: {  	_ =	sfence.sel $0x180000  }
0x59: {  	[bflag:$0x0] =	sbarrier.arrive $0xFFFF  }
0x5a: {  	_ =	strace $0x90000047  }
0x5b: {  	s0 =	sadd.s32 @!p0 $0x100000, s1;
	[bflag:$0x2] =	sbarrier.arrive $0xFFFF  }
0x5c: {  	[sflag:s0] =	ssyncadd.tile.s32 @!p0 $0x1;
	_ =	shalt  }
.Lfunc_end2:
_tile_overlayer_lowered:
.L_overlay_start_2:
0x5d: {  	(tag) =	ssettag $0x2  }
0x5e: {  	s0 =	rddreg [dreg:$0x0];
	s2 =	stileid.u32  }
0x5f: {  	s1 =	rddreg [dreg:$0x1];
	p0 =	sne.s32 s2, $0x0  }
0x60: {  	s3 =	rddreg [dreg:$0x2];
	[bflag:$0x3] =	sbarrier.arrive $0xFFFF;
	s2 =	simm.s32 @!p0 $0x1C03  }
0x61: {  	[timem:s3], [sflag:s2] =	dma.local @!p0 [hbm:s0], s1  }
0x62: {  	s0 =	simm.s32 @!p0 $0x3  }
0x63: {  	_ =	swait.ge @!p0 [sflag:s0], s1  }
0x64: {  	s1 =	ssub.s32 @!p0 $0x0, s1;
	[sflag:s0] =	ssyncset.done @!p0 $0x0  }
0x65: {  	[sflag:s0] =	ssyncadd.s32 @!p0 s1  }
0x66: {  	[bflag:$0x3] =	sbarrier.arrive $0xFFFF  }
0x67: {  	_ =	shalt  }

</sc_bundles>
